<compile_context>
chip_gen: v7x
topology: tpu7x:2x2x1
jax: 0.10.2.dev20260603
libtpu: 0.0.44.dev20260713+nightly
codegen_flags: <defaults>
</compile_context>

<pallas_src>
import functools

import jax
import jax.numpy as jnp
from jax import lax
from jax.experimental import pallas as pl
from jax.experimental.pallas import tpu as pltpu
from jax.experimental.pallas import tpu_sc as plsc

N_NODES = 50000
N_HEDGES = 50000
N_INC = 800000
N_GRAPHS = 256
H_DIM = 64
HEDGE_DIM = 35
NW = 32
D = 128

E_PAD = 802816
O_PAD = 102400


def _pad_idx(idx, n):
    return jnp.pad(idx.astype(jnp.int32), (0, n - idx.shape[0]))


def _pad_rows(w, rows=D):
    return jnp.pad(w, ((0, rows - w.shape[0]), (0, 0)))



@functools.partial(jax.jit, static_argnames=("ch",))
def _sc_gather(table, idx, ch=128):
    B = idx.shape[0]
    bpw = B // NW
    ch = min(ch, bpw)
    nch = bpw // ch
    mesh = plsc.VectorSubcoreMesh(core_axis_name="c", subcore_axis_name="s")

    @functools.partial(
        pl.kernel,
        mesh=mesh,
        out_type=jax.ShapeDtypeStruct((B, D), jnp.float32),
        scratch_types=[
            pltpu.VMEM((bpw,), jnp.int32),
            pltpu.VMEM((ch, D), jnp.float32),
            pltpu.SemaphoreType.DMA,
        ],
    )
    def k(table_hbm, idx_hbm, out_hbm, idx_v, rows_v, sem):
        wid = lax.axis_index("s") * 2 + lax.axis_index("c")
        base = wid * bpw
        pltpu.sync_copy(idx_hbm.at[pl.ds(base, bpw)], idx_v)

        def body(c, carry):
            o = pl.multiple_of(c * ch, 8)
            pltpu.async_copy(table_hbm.at[idx_v.at[pl.ds(o, ch)]], rows_v, sem).wait()
            pltpu.sync_copy(rows_v, out_hbm.at[pl.ds(base + o, ch)])
            return carry

        lax.fori_loop(0, nch, body, 0)

    return k(table, idx)



def _tril_strict(n):
    r = lax.broadcasted_iota(jnp.int32, (n, n), 0)
    c = lax.broadcasted_iota(jnp.int32, (n, n), 1)
    return (c < r).astype(jnp.float32)


def _cum_body(v, o_ref, carry_ref, comp_ref, i, s):
    @pl.when(i == 0)
    def _():
        carry_ref[...] = jnp.zeros_like(carry_ref)
        comp_ref[...] = jnp.zeros_like(comp_ref)

    blk = v.shape[0]
    g = blk // s
    t = _tril_strict(s)
    carry = carry_ref[...]
    off = jnp.zeros_like(carry)
    outs = []
    for j in range(g):
        seg = v[j * s : (j + 1) * s]
        cg = jnp.dot(t, seg, preferred_element_type=jnp.float32)
        outs.append(cg + (off + carry))
        off = off + jnp.sum(seg, 0, keepdims=True)
    o_ref[...] = jnp.concatenate(outs, 0)
    y = off - comp_ref[...]
    snew = carry + y
    comp_ref[...] = (snew - carry) - y
    carry_ref[...] = snew


def _cumsum_kernel(s, x_ref, o_ref, carry_ref, comp_ref):
    _cum_body(x_ref[...], o_ref, carry_ref, comp_ref, pl.program_id(0), s)


def _cumsum_excl(x, blk, s):
    n, d = x.shape
    return pl.pallas_call(
        functools.partial(_cumsum_kernel, s),
        grid=(n // blk,),
        in_specs=[pl.BlockSpec((blk, d), lambda i: (i, 0))],
        out_specs=pl.BlockSpec((blk, d), lambda i: (i, 0)),
        out_shape=jax.ShapeDtypeStruct((n, d), jnp.float32),
        scratch_shapes=[pltpu.VMEM((1, d), jnp.float32), pltpu.VMEM((1, d), jnp.float32)],
    )(x)


def _gate_cumsum_kernel(s, a_ref, b_ref, o_ref, carry_ref, comp_ref):
    z = a_ref[...] + b_ref[...]
    v = jax.nn.sigmoid(z[:, :H_DIM]) * jax.nn.softplus(z[:, H_DIM:])
    v = jnp.concatenate([v, jnp.zeros_like(v)], axis=1)
    _cum_body(v, o_ref, carry_ref, comp_ref, pl.program_id(0), s)


def _gate_cumsum_excl(a, b, blk, s):
    n, d = a.shape
    spec = pl.BlockSpec((blk, d), lambda i: (i, 0))
    return pl.pallas_call(
        functools.partial(_gate_cumsum_kernel, s),
        grid=(n // blk,),
        in_specs=[spec, spec],
        out_specs=spec,
        out_shape=jax.ShapeDtypeStruct((n, d), jnp.float32),
        scratch_shapes=[pltpu.VMEM((1, d), jnp.float32), pltpu.VMEM((1, d), jnp.float32)],
    )(a, b)



_BLK = 2000


def _full(r, c):
    return pl.BlockSpec((r, c), lambda i: (0, 0))


def _rows(c, blk=_BLK, off=0):
    return pl.BlockSpec((blk, c), lambda i: (i + off, 0))


def _embed_kernel(x_ref, w_ref, b_ref, o_ref):
    o_ref[...] = (
        jnp.dot(x_ref[...], w_ref[...], preferred_element_type=jnp.float32) + b_ref[...]
    )


def _embed(x0, w, b):
    return pl.pallas_call(
        _embed_kernel,
        grid=(N_NODES // _BLK,),
        in_specs=[_rows(92), _full(92, D), _full(1, D)],
        out_specs=_rows(D),
        out_shape=jax.ShapeDtypeStruct((N_NODES, D), jnp.float32),
    )(x0, w, b)


def _kAB_kernel(qhi, qlo, cnt, ha, wft, wfb, bf, wct, wcb, bc, zf_o, zc_o, st_o):
    i = pl.program_id(0)
    mx = (qhi[...] - qlo[...]) / cnt[...]
    h = ha[...]
    zf = (
        jnp.dot(mx, wft[...], preferred_element_type=jnp.float32)
        + jnp.dot(h, wfb[...], preferred_element_type=jnp.float32)
        + bf[...]
    )
    zc = (
        jnp.dot(mx, wct[...], preferred_element_type=jnp.float32)
        + jnp.dot(h, wcb[...], preferred_element_type=jnp.float32)
        + bc[...]
    )
    zf_o[...] = zf
    zc_o[...] = zc
    st = jnp.concatenate(
        [
            jnp.sum(zf, 0, keepdims=True),
            jnp.sum(zf * zf, 0, keepdims=True),
            jnp.sum(zc, 0, keepdims=True),
            jnp.sum(zc * zc, 0, keepdims=True),
            jnp.zeros((4, HEDGE_DIM), jnp.float32),
        ],
        axis=0,
    )

    @pl.when(i == 0)
    def _():
        st_o[...] = jnp.zeros_like(st_o)

    st_o[...] += st


def _kAB(qq, cnt, ha, wf1t, wc1t, p):
    return pl.pallas_call(
        _kAB_kernel,
        grid=(N_HEDGES // _BLK,),
        in_specs=[
            _rows(D), _rows(D, off=N_HEDGES // _BLK), _rows(1), _rows(HEDGE_DIM),
            _full(D, HEDGE_DIM), _full(HEDGE_DIM, HEDGE_DIM), _full(1, HEDGE_DIM),
            _full(D, HEDGE_DIM), _full(HEDGE_DIM, HEDGE_DIM), _full(1, HEDGE_DIM),
        ],
        out_specs=[_rows(HEDGE_DIM), _rows(HEDGE_DIM), _full(8, HEDGE_DIM)],
        out_shape=[
            jax.ShapeDtypeStruct((N_HEDGES, HEDGE_DIM), jnp.float32),
            jax.ShapeDtypeStruct((N_HEDGES, HEDGE_DIM), jnp.float32),
            jax.ShapeDtypeStruct((8, HEDGE_DIM), jnp.float32),
        ],
    )(
        qq, qq, cnt, ha,
        wf1t, p["w_f1"][H_DIM:], p["b_f1"].reshape(1, -1),
        wc1t, p["w_c1"][H_DIM:], p["b_c1"].reshape(1, -1),
    )


def _bn_from_stats(z, s0, s1, g, b, n):
    mu = s0 / n
    var = s1 / n - mu * mu
    return (z - mu) * lax.rsqrt(var + 1e-5) * g + b


def _kB2_kernel(zf, zc, st, gf, bf, gc, bc, x, w2ft, b2f, w2ct, b2c, w2fb, w2cb,
                ha_o, a_o, b_o):
    s = st[...]
    zfn = _bn_from_stats(zf[...], s[0:1], s[1:2], gf[...], bf[...], N_HEDGES)
    zcn = _bn_from_stats(zc[...], s[2:3], s[3:4], gc[...], bc[...], N_HEDGES)
    han = jax.nn.sigmoid(zfn) * jax.nn.softplus(zcn)
    ha_o[...] = han
    xb = x[...]
    af = jnp.dot(xb, w2ft[...], preferred_element_type=jnp.float32) + b2f[...]
    ac = jnp.dot(xb, w2ct[...], preferred_element_type=jnp.float32) + b2c[...]
    a_o[...] = jnp.concatenate([af, ac], axis=1)
    bfv = jnp.dot(han, w2fb[...], preferred_element_type=jnp.float32)
    bcv = jnp.dot(han, w2cb[...], preferred_element_type=jnp.float32)
    b_o[...] = jnp.concatenate([bfv, bcv], axis=1)


def _kB2(zf, zc, st, x, wf2t, wc2t, p):
    return pl.pallas_call(
        _kB2_kernel,
        grid=(N_HEDGES // _BLK,),
        in_specs=[
            _rows(HEDGE_DIM), _rows(HEDGE_DIM), _full(8, HEDGE_DIM),
            _full(1, HEDGE_DIM), _full(1, HEDGE_DIM), _full(1, HEDGE_DIM), _full(1, HEDGE_DIM),
            _rows(D),
            _full(D, H_DIM), _full(1, H_DIM), _full(D, H_DIM), _full(1, H_DIM),
            _full(HEDGE_DIM, H_DIM), _full(HEDGE_DIM, H_DIM),
        ],
        out_specs=[_rows(HEDGE_DIM), _rows(D), _rows(D)],
        out_shape=[
            jax.ShapeDtypeStruct((N_HEDGES, HEDGE_DIM), jnp.float32),
            jax.ShapeDtypeStruct((N_NODES, D), jnp.float32),
            jax.ShapeDtypeStruct((N_HEDGES, D), jnp.float32),
        ],
    )(
        zf, zc, st,
        p["bn_f_g"].reshape(1, -1), p["bn_f_b"].reshape(1, -1),
        p["bn_c_g"].reshape(1, -1), p["bn_c_b"].reshape(1, -1),
        x,
        wf2t, p["b_f2"].reshape(1, -1),
        wc2t, p["b_c2"].reshape(1, -1),
        p["w_f2"][H_DIM:], p["w_c2"][H_DIM:],
    )


def _kC1_kernel(qhi, qlo, cnt, o_ref, st_o):
    i = pl.program_id(0)
    out = (qhi[...] - qlo[...])[:, :H_DIM] / cnt[...]
    o_ref[...] = out
    st = jnp.concatenate(
        [
            jnp.sum(out, 0, keepdims=True),
            jnp.sum(out * out, 0, keepdims=True),
            jnp.zeros((6, H_DIM), jnp.float32),
        ],
        axis=0,
    )

    @pl.when(i == 0)
    def _():
        st_o[...] = jnp.zeros_like(st_o)

    st_o[...] += st


def _kC1(q2, cnt):
    return pl.pallas_call(
        _kC1_kernel,
        grid=(N_NODES // _BLK,),
        in_specs=[_rows(D), _rows(D, off=N_NODES // _BLK), _rows(1)],
        out_specs=[_rows(H_DIM), _full(8, H_DIM)],
        out_shape=[
            jax.ShapeDtypeStruct((N_NODES, H_DIM), jnp.float32),
            jax.ShapeDtypeStruct((8, H_DIM), jnp.float32),
        ],
    )(q2, q2, cnt)


def _kC2_kernel(o, st, g, b, x, xo):
    s = st[...]
    r = jax.nn.softplus(
        _bn_from_stats(o[...], s[0:1], s[1:2], g[...], b[...], N_NODES)
        + x[...][:, :H_DIM]
    )
    xo[...] = jnp.concatenate([r, jnp.zeros_like(r)], axis=1)


def _kC2(out, st, g, b, x):
    return pl.pallas_call(
        _kC2_kernel,
        grid=(N_NODES // _BLK,),
        in_specs=[_rows(H_DIM), _full(8, H_DIM), _full(1, H_DIM), _full(1, H_DIM), _rows(D)],
        out_specs=_rows(D),
        out_shape=jax.ShapeDtypeStruct((N_NODES, D), jnp.float32),
    )(out, st, g.reshape(1, -1), b.reshape(1, -1), x)


def _kfinal_kernel(phi, plo, cnt, l2w, l2b, ow, ob, o_ref):
    pooled = (phi[...] - plo[...]) / cnt[...]
    h = jax.nn.softplus(
        jnp.dot(pooled, l2w[...], preferred_element_type=jnp.float32) + l2b[...]
    )
    o_ref[...] = jnp.dot(h, ow[...], preferred_element_type=jnp.float32) + ob[...]


def _kfinal(phi, plo, cnt, l2wp, params):
    return pl.pallas_call(
        _kfinal_kernel,
        out_shape=jax.ShapeDtypeStruct((N_GRAPHS, 1), jnp.float32),
    )(
        phi, plo, cnt,
        l2wp, params["l2_b"].reshape(1, -1),
        params["out_w"], params["out_b"].reshape(1, -1),
    )



def kernel(x, hyperedge_index, hyperedge_attr, batch, params):
    src = hyperedge_index[0]
    he = hyperedge_index[1]

    perm_he = jnp.argsort(he)
    src_by_he = src[perm_he].astype(jnp.int32)
    he_sorted = he[perm_he]
    off_he = jnp.searchsorted(he_sorted, jnp.arange(N_HEDGES + 1)).astype(jnp.int32)
    perm_src = jnp.argsort(src)
    src_sorted = src[perm_src].astype(jnp.int32)
    he_by_src = he[perm_src].astype(jnp.int32)
    off_src = jnp.searchsorted(src_sorted, jnp.arange(N_NODES + 1)).astype(jnp.int32)
    off_b = jnp.searchsorted(batch, jnp.arange(N_GRAPHS + 1)).astype(jnp.int32)

    cnt_he = jnp.maximum(off_he[1:] - off_he[:-1], 1).astype(jnp.float32)[:, None]
    cnt_src = jnp.maximum(off_src[1:] - off_src[:-1], 1).astype(jnp.float32)[:, None]
    cnt_b = jnp.maximum(off_b[1:] - off_b[:-1], 1).astype(jnp.float32)[:, None]

    idx_e_he = _pad_idx(src_by_he, E_PAD)
    idx_q_he = _pad_idx(jnp.concatenate([off_he[1:], off_he[:-1]]), O_PAD)
    idx_a = _pad_idx(src_sorted, E_PAD)
    idx_b = _pad_idx(he_by_src, E_PAD)
    idx_q_src = _pad_idx(jnp.concatenate([off_src[1:], off_src[:-1]]), O_PAD)
    idx_q_b = jnp.concatenate([off_b[1:], off_b[:-1]]).astype(jnp.int32)

    embed_wp = jnp.pad(params["embed_w"], ((0, 0), (0, D - H_DIM)))
    embed_bp = jnp.pad(params["embed_b"], (0, D - H_DIM)).reshape(1, -1)
    l2wp = _pad_rows(params["l2_w"])

    x = _embed(x, embed_wp, embed_bp)
    ha = hyperedge_attr

    for p in params["convs"]:
        wf1t = _pad_rows(p["w_f1"][:H_DIM])
        wc1t = _pad_rows(p["w_c1"][:H_DIM])
        wf2t = _pad_rows(p["w_f2"][:H_DIM])
        wc2t = _pad_rows(p["w_c2"][:H_DIM])
        g = _sc_gather(x, idx_e_he)
        e1 = _cumsum_excl(g, 1024, 64)
        qq = _sc_gather(e1, idx_q_he)
        zf, zc, st = _kAB(qq, cnt_he, ha, wf1t, wc1t, p)
        ha, a_t, b_t = _kB2(zf, zc, st, x, wf2t, wc2t, p)
        ga = _sc_gather(a_t, idx_a)
        gb = _sc_gather(b_t, idx_b)
        e2 = _gate_cumsum_excl(ga, gb, 1024, 64)
        q2 = _sc_gather(e2, idx_q_src)
        out, st2 = _kC1(q2, cnt_src)
        x = _kC2(out, st2, p["bn_o_g"], p["bn_o_b"], x)

    xp = jnp.pad(x, ((0, 1000), (0, 0)))
    e3 = _cumsum_excl(xp, 1000, 40)
    q3 = _sc_gather(e3, idx_q_b, ch=16)
    return _kfinal(q3[:N_GRAPHS], q3[N_GRAPHS:], cnt_b, l2wp, params)

# --- scband reference (transcript-rebuilt; emitter-appended) ---
"""Pipeline reference for scband-crystal-hypergraph-conv-17291538334096 (READ-ONLY COPY).

The authoritative reference and input builder live on the scoring server;
editing this copy changes nothing except your own understanding.
"""

import jax, jax.numpy as jnp
import numpy as np

N_NODES = 50000
N_HEDGES = 50000
N_INC = 800000
N_GRAPHS = 256
H_DIM = 64
HOUT_DIM = 128
NODE_IN = 92
HEDGE_DIM = 35
N_LAYERS = 3


def _bn(z, g, b):
    mu = jnp.mean(z, axis=0)
    var = jnp.var(z, axis=0)
    return (z - mu) / jnp.sqrt(var + 1e-5) * g + b


def _seg_mean(vals, ids, num_segments):
    s = jax.ops.segment_sum(vals, ids, num_segments=num_segments)
    c = jax.ops.segment_sum(jnp.ones((vals.shape[0], 1), vals.dtype), ids, num_segments=num_segments)
    return s / jnp.maximum(c, 1.0)


def _chg_conv(x, hattr, p, src, he):
    # aggregate node features contained in each hyperedge (mean)
    mean_x = _seg_mean(x[src], he, N_HEDGES)
    msg = jnp.concatenate([mean_x, hattr], axis=1)
    z_f = _bn(msg @ p['w_f1'] + p['b_f1'], p['bn_f_g'], p['bn_f_b'])
    z_c = _bn(msg @ p['w_c1'] + p['b_c1'], p['bn_c_g'], p['bn_c_b'])
    hattr_new = jax.nn.sigmoid(z_f) * jax.nn.softplus(z_c)
    x_i = x[src]
    x_j = hattr_new[he]
    z = jnp.concatenate([x_i, x_j], axis=-1)
    out = jax.nn.sigmoid(z @ p['w_f2'] + p['b_f2']) * jax.nn.softplus(z @ p['w_c2'] + p['b_c2'])
    out = _seg_mean(out, src, N_NODES)
    out = _bn(out, p['bn_o_g'], p['bn_o_b'])
    out = jax.nn.softplus(out + x)
    return out, hattr_new


def _forward(x, hattr, params, src, he, batch):
    x = x @ params['embed_w'] + params['embed_b']
    for p in params['convs']:
        x, hattr = _chg_conv(x, hattr, p, src, he)
    pooled = _seg_mean(x, batch, N_GRAPHS)
    h = jax.nn.softplus(pooled @ params['l2_w'] + params['l2_b'])
    return h @ params['out_w'] + params['out_b']


def setup_inputs(seed: int = 0):
    key = jax.random.key(seed)
    ks = jax.random.split(key, 8)
    x = jax.random.normal(ks[0], (N_NODES, NODE_IN), dtype=jnp.float32)
    hyperedge_index = jax.random.randint(ks[1], (2, N_INC), 0, N_NODES)
    hyperedge_attr = jax.random.normal(ks[2], (N_HEDGES, HEDGE_DIM), dtype=jnp.float32)
    batch = jnp.sort(jax.random.randint(ks[3], (N_NODES,), 0, N_GRAPHS))
    pk = jax.random.split(ks[4], 6 + N_LAYERS * 8)

    def W(k, shape):
        return jax.random.normal(k, shape, dtype=jnp.float32) * 0.05

    cat = H_DIM + HEDGE_DIM
    params = {
        'embed_w': W(pk[0], (NODE_IN, H_DIM)), 'embed_b': jnp.zeros((H_DIM,), jnp.float32),
        'l2_w': W(pk[1], (H_DIM, HOUT_DIM)), 'l2_b': jnp.zeros((HOUT_DIM,), jnp.float32),
        'out_w': W(pk[2], (HOUT_DIM, 1)), 'out_b': jnp.zeros((1,), jnp.float32),
        'convs': []
    }
    for i in range(N_LAYERS):
        base = 6 + i * 8
        params['convs'].append({
            'w_f1': W(pk[base], (cat, HEDGE_DIM)), 'b_f1': jnp.zeros((HEDGE_DIM,), jnp.float32),
            'w_c1': W(pk[base + 1], (cat, HEDGE_DIM)), 'b_c1': jnp.zeros((HEDGE_DIM,), jnp.float32),
            'w_f2': W(pk[base + 2], (cat, H_DIM)), 'b_f2': jnp.zeros((H_DIM,), jnp.float32),
            'w_c2': W(pk[base + 3], (cat, H_DIM)), 'b_c2': jnp.zeros((H_DIM,), jnp.float32),
            'bn_f_g': jnp.ones((HEDGE_DIM,), jnp.float32), 'bn_f_b': jnp.zeros((HEDGE_DIM,), jnp.float32),
            'bn_c_g': jnp.ones((HEDGE_DIM,), jnp.float32), 'bn_c_b': jnp.zeros((HEDGE_DIM,), jnp.float32),
            'bn_o_g': jnp.ones((H_DIM,), jnp.float32), 'bn_o_b': jnp.zeros((H_DIM,), jnp.float32),
        })
    return {'x': x, 'hyperedge_index': hyperedge_index, 'hyperedge_attr': hyperedge_attr, 'batch': batch, 'params': params}


def reference(x, hyperedge_index, hyperedge_attr, batch, params):
    return _forward(x, hyperedge_attr, params, hyperedge_index[0], hyperedge_index[1], batch)

if __name__ == "__main__":
    import jax
    _d = setup_inputs()
    print(jax.jit(kernel)(*tuple(_d.values())))

</pallas_src>

<mosaic_0001>
#map = affine_map<(d0, d1) -> (0, 0)>
#map1 = affine_map<(d0, d1) -> (0)>
module attributes {stable_mosaic.version = 14 : i64} {
  func.func @k(%arg0: i32, %arg1: i32, %arg2: memref<50000x128xf32, #tpu.memory_space<hbm>>, %arg3: memref<802816xi32, #tpu.memory_space<hbm>>, %arg4: memref<802816x128xf32, #tpu.memory_space<hbm>>, %arg5: memref<25088xi32, #tpu.memory_space<vmem>>, %arg6: memref<128x128xf32, #tpu.memory_space<vmem>>, %arg7: memref<!tpu.dma_semaphore, #tpu.memory_space<semaphore_mem>>) attributes {dimension_semantics = [#tpu.dimension_semantics<core_parallel>, #tpu.dimension_semantics<subcore_parallel>], iteration_bounds = array<i64: 2, 16>, scalar_prefetch = 0 : i64, scratch_operands = 3 : i64, tpu.core_type = #tpu.core_type<sc_vector_subcore>, window_params = [{transform_indices = #map}, {transform_indices = #map1}, {transform_indices = #map}]} {
    %mul3A = arith.constant 2 : i32
    %mul3A_0 = arith.muli %arg1, %mul3A : i32
    %add3A = arith.addi %mul3A_0, %arg0 : i32
    %mul3A_1 = arith.constant 25088 : i32
    %mul3A_2 = arith.muli %add3A, %mul3A_1 : i32
    "tpu.region"() ({
      %run_scoped3A = tpu.sem_alloc : memref<!tpu.dma_semaphore, #tpu.memory_space<semaphore_mem>>
      %dma_start3A = tpu.memref_slice %arg3[%mul3A_2] : memref<802816xi32, #tpu.memory_space<hbm>> -> memref<25088xi32, #tpu.memory_space<hbm>>
      %dma_start3A_8 = tpu.memref_slice %arg3[%mul3A_2] : memref<802816xi32, #tpu.memory_space<hbm>> -> memref<25088xi32, #tpu.memory_space<hbm>>
      tpu.enqueue_dma source(%dma_start3A_8 : memref<25088xi32, #tpu.memory_space<hbm>>) target(%arg5 : memref<25088xi32, #tpu.memory_space<vmem>>) target_semaphore(%run_scoped3A : memref<!tpu.dma_semaphore, #tpu.memory_space<semaphore_mem>>)
      %dma_wait3A = tpu.memref_slice %arg3[%mul3A_2] : memref<802816xi32, #tpu.memory_space<hbm>> -> memref<25088xi32, #tpu.memory_space<hbm>>
      %dma_wait3A_9 = tpu.memref_slice %arg3[%mul3A_2] : memref<802816xi32, #tpu.memory_space<hbm>> -> memref<25088xi32, #tpu.memory_space<hbm>>
      tpu.wait_dma2 semaphore(%run_scoped3A : memref<!tpu.dma_semaphore, #tpu.memory_space<semaphore_mem>>) src(%dma_wait3A_9 : memref<25088xi32, #tpu.memory_space<hbm>>) dst(%arg5 : memref<25088xi32, #tpu.memory_space<vmem>>)
      tpu.yield
    }) : () -> ()
    %scan3A = arith.constant 0 : i32
    %scan3A_3 = arith.constant 0 : i32
    %scan3A_4 = arith.constant 196 : i32
    %scan3A_5 = arith.addi %scan3A_3, %scan3A_4 : i32
    %scan3A_6 = arith.constant 1 : i32
    scf.for %scan3A_8 = %scan3A_3 to %scan3A_5 step %scan3A_6  : i32 {
      %mul3A_9 = arith.constant 128 : i32
      %mul3A_10 = arith.muli %scan3A_8, %mul3A_9 : i32
      %multiple_of3A = tpu.assume_multiple %mul3A_10, 8 : i32
      %dma_start3A = tpu.memref_slice %arg5[%multiple_of3A] : memref<25088xi32, #tpu.memory_space<vmem>> -> memref<128xi32, #tpu.memory_space<vmem>>
      %dma_start3A_11 = arith.constant 0 : i32
      %dma_start3A_12 = arith.constant 0 : i32
      %dma_start3A_13 = tpu.memref_slice %arg2[%dma_start3A_11, %dma_start3A_12] : memref<50000x128xf32, #tpu.memory_space<hbm>> -> memref<50000x128xf32, #tpu.memory_space<hbm>>
      tpu.enqueue_indirect_dma source(%dma_start3A_13 : memref<50000x128xf32, #tpu.memory_space<hbm>>) target(%arg6 : memref<128x128xf32, #tpu.memory_space<vmem>>) offsets(%dma_start3A : memref<128xi32, #tpu.memory_space<vmem>>) semaphore(%arg7 : memref<!tpu.dma_semaphore, #tpu.memory_space<semaphore_mem>>)
      %dma_wait3A = tpu.memref_slice %arg5[%multiple_of3A] : memref<25088xi32, #tpu.memory_space<vmem>> -> memref<128xi32, #tpu.memory_space<vmem>>
      %dma_wait3A_14 = arith.constant 0 : i32
      %dma_wait3A_15 = arith.constant 0 : i32
      %dma_wait3A_16 = tpu.memref_slice %arg2[%dma_wait3A_14, %dma_wait3A_15] : memref<50000x128xf32, #tpu.memory_space<hbm>> -> memref<50000x128xf32, #tpu.memory_space<hbm>>
      tpu.wait_indirect_dma semaphore(%arg7 : memref<!tpu.dma_semaphore, #tpu.memory_space<semaphore_mem>>) src(%dma_wait3A_16 : memref<50000x128xf32, #tpu.memory_space<hbm>>) dst(%arg6 : memref<128x128xf32, #tpu.memory_space<vmem>>)
      %add3A_17 = arith.addi %mul3A_2, %multiple_of3A : i32
      "tpu.region"() ({
        %run_scoped3A = tpu.sem_alloc : memref<!tpu.dma_semaphore, #tpu.memory_space<semaphore_mem>>
        %dma_start3A_18 = arith.constant 0 : i32
        %dma_start3A_19 = tpu.memref_slice %arg4[%add3A_17, %dma_start3A_18] : memref<802816x128xf32, #tpu.memory_space<hbm>> -> memref<128x128xf32, #tpu.memory_space<hbm>>
        %dma_start3A_20 = arith.constant 0 : i32
        %dma_start3A_21 = tpu.memref_slice %arg4[%add3A_17, %dma_start3A_20] : memref<802816x128xf32, #tpu.memory_space<hbm>> -> memref<128x128xf32, #tpu.memory_space<hbm>>
        tpu.enqueue_dma source(%arg6 : memref<128x128xf32, #tpu.memory_space<vmem>>) target(%dma_start3A_21 : memref<128x128xf32, #tpu.memory_space<hbm>>) target_semaphore(%run_scoped3A : memref<!tpu.dma_semaphore, #tpu.memory_space<semaphore_mem>>)
        %dma_wait3A_22 = arith.constant 0 : i32
        %dma_wait3A_23 = tpu.memref_slice %arg4[%add3A_17, %dma_wait3A_22] : memref<802816x128xf32, #tpu.memory_space<hbm>> -> memref<128x128xf32, #tpu.memory_space<hbm>>
        %dma_wait3A_24 = arith.constant 0 : i32
        %dma_wait3A_25 = tpu.memref_slice %arg4[%add3A_17, %dma_wait3A_24] : memref<802816x128xf32, #tpu.memory_space<hbm>> -> memref<128x128xf32, #tpu.memory_space<hbm>>
        tpu.wait_dma2 semaphore(%run_scoped3A : memref<!tpu.dma_semaphore, #tpu.memory_space<semaphore_mem>>) src(%arg6 : memref<128x128xf32, #tpu.memory_space<vmem>>) dst(%dma_wait3A_25 : memref<128x128xf32, #tpu.memory_space<hbm>>)
        tpu.yield
      }) : () -> ()
    }
    %scan3A_7 = arith.constant 196 : i32
    return
  }
}

</mosaic_0001>

<sc_bundles>
// kernel: _sc_gather.3.cloned.1.call-start
scs
__scs_entry_jumppad:
0x0: {  	(pc) =	sbr.rel $0x88, $3  }
0x1: {  	(tag) =	ssettag $0x0;
	lr =	simm.s32 $0x1  }
0x2: {  	[smem:$0x3F9F] =	sst lr;
	_ =	strace $0xD0000000  }
0x3: {  	_ = 	snop  }
0x4: {  	_ = 	snop  }
0x5: {  	_ = 	snop  }
0x6: {  	_ = 	snop  }
0x7: {  	_ = 	snop  }
__scs_overlays_trampoline_lowered:
0x8: {  	[smem:$0x3FAE] =	sst s0  }
0x9: {  	[smem:$0x3FAF] =	sst s1  }
0xa: {  	[smem:$0x3FB0] =	sst s2  }
0xb: {  	[smem:$0x3FB1] =	sst s3  }
0xc: {  	[smem:$0x3FB2] =	sst s4  }
0xd: {  	[smem:$0x3FB3] =	sst s5  }
0xe: {  	[smem:$0x3FB4] =	sst s6  }
0xf: {  	[smem:$0x3FB5] =	sst s7  }
0x10: {  	[smem:$0x3FB6] =	sst s8  }
0x11: {  	[smem:$0x3FB7] =	sst s9;
	s0 =	simm.s32 @!p0 $0x0  }
0x12: {  	s1 =	sld [smem:$0x3F9D];
	s0 =	simm.s32 @p0 $0x1  }
0x13: {  	[smem:$0x3FB8] =	sst s0;
	s0 =	simm.s32 @!p1 $0x0  }
0x14: {  	s2 =	sld [smem:$0x3F9C];
	s0 =	simm.s32 @p1 $0x1  }
0x15: {  	[smem:$0x3FB9] =	sst s0;
	s0 =	simm.s32 @!p2 $0x0  }
0x16: {  	s3 =	sld [smem:$0x3FDB];
	s0 =	simm.s32 @p2 $0x1  }
0x17: {  	s4 =	simm.s32 $0x1BF5;
	[smem:$0x3FBB] =	sst s0  }
0x18: {  	s0 =	sld [smem:$0x3F9E];
	_ =	swait.ge [sflag:s4], $0x0  }
0x19: {  	s7 =	sld [smem:$0x3F9F]  }
0x1a: {  	s8 =	sadd.s32 $0xFFFFE003, lr  }
0x1b: {  	s9 =	sadd.s32 $0xFFFFFEF7, lr;
	s5 =	simm.s32 $0xFFFFFFFF;
	p2 =	slt.u32 s8, $0xFFFFF086  }
0x1c: {  	p1 =	slt.u32 s9, $0xF7A;
	s5 =	simm.s32 @!p2 $0x0  }
0x1d: {  	s5 =	simm.s32 @p1 $0x1;
	p0 =	seq.s32 s7, s2  }
0x1e: {  	s7 =	smul.u32 @!p0 $0xF7A, s2;
	p2 =	seq.s32 @!p0 s5, $0x0  }
0x1f: {  	s9 =	smul.u32 $0xF7A, s1;
	s8 =	simm.s32 @!p0 $0x1BF5;
	p2 =	por !p2, p0  }
0x20: {  	[sflag:s8] =	ssyncset.s32 @!p0 $0xFFFFF086;
	s6 =	sadd.s32 @!p0 s3, s7;
	s7 =	simm.s32 @!p0 $0x108  }
0x21: {  	s3 =	sadd.s32 s3, s9;
	s6 =	sadd.s32 @!p0 $0x88, s6;
	s7 =	simm.s32 @p2 $0x1082  }
0x22: {  	[simem:s7], [sflag:s8] =	dma.local @!p0 [hbm:s6], $0xF7A  }
0x23: {  	s9 =	sor.u32 $0xD0000000, s2;
	s6 =	simm.s32 $0x108;
	_ =	swait.ge @!p0 [sflag:s8], $0x0  }
0x24: {  	s3 =	sadd.s32 $0x88, s3;
	s6 =	simm.s32 @!p1 $0x1082;
	[sflag:s4] =	ssyncset.s32 $0xFFFFF086  }
0x25: {  	[simem:s6], [sflag:s4] =	dma.local [hbm:s3], $0xF7A  }
0x26: {  	[smem:$0x3F9F] =	sst s1;
	(tag) =	ssettag s2;
	_ =	strace s9  }
0x27: {  	s1 =	sld [smem:$0x3FAF]  }
0x28: {  	s2 =	sld [smem:$0x3FB0]  }
0x29: {  	s4 =	sld [smem:$0x3FB2]  }
0x2a: {  	p0 =	seq.s32 s5, $0x0;
	s5 =	sld [smem:$0x3FB3]  }
0x2b: {  	s6 =	sld [smem:$0x3FB4]  }
0x2c: {  	s7 =	sld [smem:$0x3FB5]  }
0x2d: {  	s3 =	simm.s32 $0x108;
	s8 =	sld [smem:$0x3FB6]  }
0x2e: {  	s3 =	simm.s32 @!p0 $0x1082;
	s9 =	sld [smem:$0x3FB7]  }
0x2f: {  	lr =	sadd.s32 s0, s3;
	s0 =	sld [smem:$0x3FAE]  }
0x30: {  	s3 =	sld [smem:$0x3FB1]  }
0x31: {  	[smem:$0x3FBA] =	sst s10  }
0x32: {  	s10 =	sld [smem:$0x3FB8];
	_ =	sdelay $0x3  }
0x33: {  	p0 =	seq.s32 s10, $0x1;
	s10 =	sld [smem:$0x3FBA];
	_ =	sdelay $0x3  }
0x34: {  	[smem:$0x3FBA] =	sst s10  }
0x35: {  	s10 =	sld [smem:$0x3FB9];
	_ =	sdelay $0x3  }
0x36: {  	p1 =	seq.s32 s10, $0x1;
	s10 =	sld [smem:$0x3FBA];
	_ =	sdelay $0x3  }
0x37: {  	[smem:$0x3FBA] =	sst s10  }
0x38: {  	s10 =	sld [smem:$0x3FBB]  }
0x39: {  	_ = 	snop;
	(pc) =	sbr.ind lr, $3  }
0x3a: {  	_ = 	snop  }
0x3b: {  	_ = 	snop  }
0x3c: {  	p2 =	seq.s32 s10, $0x1;
	s10 =	sld [smem:$0x3FBA]  }
0x3d: {  	_ =	shalt  }
0x3e: {  	_ =	shalt  }
0x3f: {  	_ =	shalt  }
0x40: {  	_ =	shalt  }
0x41: {  	_ =	shalt  }
0x42: {  	_ =	shalt  }
0x43: {  	_ =	shalt  }
0x44: {  	_ =	shalt  }
0x45: {  	_ =	shalt  }
0x46: {  	_ =	shalt  }
0x47: {  	_ =	shalt  }
0x48: {  	_ =	shalt  }
0x49: {  	_ =	shalt  }
0x4a: {  	_ =	shalt  }
0x4b: {  	_ =	shalt  }
0x4c: {  	_ =	shalt  }
0x4d: {  	_ =	shalt  }
0x4e: {  	_ =	shalt  }
0x4f: {  	_ =	shalt  }
0x50: {  	_ =	shalt  }
0x51: {  	_ =	shalt  }
0x52: {  	_ =	shalt  }
0x53: {  	_ =	shalt  }
0x54: {  	_ =	shalt  }
0x55: {  	_ =	shalt  }
0x56: {  	_ =	shalt  }
0x57: {  	_ =	shalt  }
0x58: {  	_ =	shalt  }
0x59: {  	_ =	shalt  }
0x5a: {  	_ =	shalt  }
0x5b: {  	_ =	shalt  }
0x5c: {  	_ =	shalt  }
0x5d: {  	_ =	shalt  }
0x5e: {  	_ =	shalt  }
0x5f: {  	_ =	shalt  }
0x60: {  	_ =	shalt  }
0x61: {  	_ =	shalt  }
0x62: {  	_ =	shalt  }
0x63: {  	_ =	shalt  }
0x64: {  	_ =	shalt  }
0x65: {  	_ =	shalt  }
0x66: {  	_ =	shalt  }
0x67: {  	_ =	shalt  }
0x68: {  	_ =	shalt  }
0x69: {  	_ =	shalt  }
0x6a: {  	_ =	shalt  }
0x6b: {  	_ =	shalt  }
0x6c: {  	_ =	shalt  }
0x6d: {  	_ =	shalt  }
0x6e: {  	_ =	shalt  }
0x6f: {  	_ =	shalt  }
0x70: {  	_ =	shalt  }
0x71: {  	_ =	shalt  }
0x72: {  	_ =	shalt  }
0x73: {  	_ =	shalt  }
0x74: {  	_ =	shalt  }
0x75: {  	_ =	shalt  }
0x76: {  	_ =	shalt  }
0x77: {  	_ =	shalt  }
0x78: {  	_ =	shalt  }
0x79: {  	_ =	shalt  }
0x7a: {  	_ =	shalt  }
0x7b: {  	_ =	shalt  }
0x7c: {  	_ =	shalt  }
0x7d: {  	_ =	shalt  }
0x7e: {  	_ =	shalt  }
0x7f: {  	_ =	shalt  }
0x80: {  	_ =	shalt  }
0x81: {  	_ =	shalt  }
0x82: {  	_ =	shalt  }
0x83: {  	_ =	shalt  }
0x84: {  	_ =	shalt  }
0x85: {  	_ =	shalt  }
0x86: {  	_ =	shalt  }
0x87: {  	_ =	shalt  }
.Lfunc_end0:
.L_simem_size_0:
called_computation_lowered:
.L_overlay_start_0:
0x88: {  	s2 =	sld [smem:$0x3FD9]  }
0x89: {  	s3 =	sld [smem:$0x3FFE];
	_ =	sdelay $0x1  }
0x8a: {  	s1 =	srdreg.scid  }
0x8b: {  	s0 =	sand.u32 $0x1, s1  }
0x8c: {  	s18 =	sshll.u32 s0, $0xA;
	s2 =	sadd.s32 s3, s2  }
0x8d: {  	s2 =	sadd.s32 s2, s18  }
0x8e: {  	[smem:$0x3FC6] =	sst s2  }
0x8f: {  	_ = 	snop  }
0x90: {  	s2 =	sld [smem:$0x3FC9]  }
0x91: {  	s19 =	sld [smem:$0x3FC8]  }
0x92: {  	s4 =	sld [smem:$0x3FD0];
	(tm) =	ssettm $0x1  }
0x93: {  	s5 =	sld [smem:$0x3FFB];
	_ =	sdelay $0x3  }
0x94: {  	_ =	strace s5  }
0x95: {  	s5 =	sld [smem:$0x3FFC];
	_ =	sdelay $0x3  }
0x96: {  	_ =	strace s5  }
0x97: {  	s5 =	sld [smem:$0x3FFD];
	_ =	sdelay $0x3  }
0x98: {  	_ =	strace s5  }
0x99: {  	_ =	strace $0x8FFFFFFF  }
0x9a: {  	s20 =	sld [smem:$0x3FDB];
	_ =	sdelay $0x1  }
0x9b: {  	s6 =	simm.s32 $_scs_section_size  }
0x9c: {  	s7 =	simm.s32 $_size__tile_overlayer_lowered;
	s8 =	simm.s32 $_tile_overlayer_lowered  }
0x9d: {  	s23 =	simm.s32 $0x1BFF;
	s22 =	sshll.u32 s8, $0x1;
	s5 =	sadd.s32 s6, s20  }
0x9e: {  	s9 =	simm.s32 $0x0;
	s21 =	sshll.u32 s7, $0x1;
	s7 =	sadd.s32 s22, s5  }
0x9f: {  	[timem:s9], [sflag:s23] =	dma.local [hbm:s7], s21  }
0xa0: {  	_ =	swait.ge [sflag:s23], s21  }
0xa1: {  	s6 =	ssub.s32 $0x0, s21;
	[sflag:s23] =	ssyncset.done $0x0  }
0xa2: {  	[sflag:s23] =	ssyncadd.s32 s6;
	_ =	sdelay $0x1  }
0xa3: {  	s24 =	simm.s32 $0x1B8B  }
0xa4: {  	_ =	swait.ge [sflag:s24], $0x1  }
0xa5: {  	[sflag:s24] =	ssyncset.done $0x0  }
0xa6: {  	s25 =	simm.s32 $0x1B8E;
	[sflag:s24] =	ssyncadd.s32 $0xFFFFFFFF  }
0xa7: {  	s26 =	simm.s32 $execute0_lowered;
	[smem:$0x3FD2] =	sst s25  }
0xa8: {  	s6 =	sshll.u32 s26, $0x1;
	_ =	strace $0x80000046;
	[dreg:$0x1] =	wrdreg $0xFFFFFFFF  }
0xa9: {  	s28 =	simm.s32 $_size_execute0_lowered;
	s5 =	sadd.s32 s5, s6;
	[dreg:$0x0] =	wrdreg $0x0  }
0xaa: {  	s6 =	sshll.u32 s28, $0x1;
	[dreg:$0x2] =	wrdreg s5  }
0xab: {  	[dreg:$0x3] =	wrdreg s6  }
0xac: {  	[dreg:$0x4] =	wrdreg $0xC0  }
0xad: {  	_ =	task [dreg:s9], $0x5FFFF  }
0xae: {  	[dreg:$0x1] =	wrdreg $0xFFFFFFFF  }
0xaf: {  	[dreg:$0x0] =	wrdreg $0x60  }
0xb0: {  	[dreg:$0x2] =	wrdreg s2  }
0xb1: {  	[dreg:$0x3] =	wrdreg s19  }
0xb2: {  	[dreg:$0x4] =	wrdreg s4  }
0xb3: {  	[dreg:$0x5] =	wrdreg $0x9  }
0xb4: {  	_ =	task.clear_ibuf [dreg:s9], $0x6FFFF;
	_ =	strace $0x90000046  }
0xb5: {  	s29 =	simm.s32 $0x9;
	_ =	strace $0x80000048  }
0xb6: {  	_ =	swait.ge [sflag:s29], $0x1  }
0xb7: {  	[sflag:s29] =	ssyncadd.s32 $0xFFFFFFFF  }
0xb8: {  	_ =	strace $0x90000048  }
0xb9: {  	_ =	sfence  }
0xba: {  	s30 =	sld [smem:$0x0];
	_ =	sdelay $0x2  }
0xbb: {  	s31 =	sshll.u32 s1, $0xD;
	s1 =	sshrl.u32 s1, $0x2  }
0xbc: {  	s3 =	sand.u32 $0x4000, s31;
	s1 =	sadd.s32 s1, s30  }
0xbd: {  	s0 =	sor.u32 s3, s0;
	s1 =	sshll.u32 s1, $0x11  }
0xbe: {  	s0 =	sor.u32 s1, s0  }
0xbf: {  	s0 =	sadd.s32 $0x8F2B, s0  }
0xc0: {  	[sflag:s0] =	ssyncadd.remote.s32 $0x1  }
0xc1: {  	_ =	sfence.sel $0xFFFF  }
0xc2: {  	[dreg:$0x0] =	wrdreg $0xFFFFFFFF;
	(pc) =	sbr.abs _section_cstart, $3  }
0xc3: {  	[dreg:$0x1] =	wrdreg $0xFFFFFFFF  }
0xc4: {  	_ =	task.clear_ibuf [dreg:s9], $0x2FFFF;
	_ =	strace $0x9FFFFFFF  }
0xc5: {  	(tm) =	ssettm $0x7FFFFFFF  }
tec
execute0_lowered:
.L_overlay_start_1:
0x0: {  	(tag) =	ssettag $0x1  }
0x1: {  	s1 =	rddreg [dreg:$0x0]  }
0x2: {  	s4 =	rddreg [dreg:$0x1]  }
0x3: {  	s6 =	rddreg [dreg:$0x2]  }
0x4: {  	s0 =	rddreg [dreg:$0x3]  }
0x5: {  	s3 =	simm.s32 $0x0;
	s5 =	srdreg.scid;
	s2 =	stileid.u32  }
0x6: {  	s5 =	sand.u32 $0x1, s5;
	s7 =	sshll.u32 s2, $0x1;
	s8 =	smul.u32 $0x620000, s2  }
0x7: {  	s9 =	ssub.s32 $0x2, s5;
	s7 =	sor.u32 s5, s7;
	s5 =	smul.u32 $0x310000, s5  }
0x8: {  	[smem:$0x7FF] =	sst s3;
	s10 =	sshrl.u32 s9, $0x1;
	s7 =	smul.u32 $0xC40, s7  }
0x9: {  	s11 =	simm.s32 $0x0;
	_ =	strace $0x80000047;
	s9 =	ssub.s32 s9, s10  }
0xa: {  	s8 =	sadd.s32 s5, s8;
	s10 =	simm.s32 $0x1;
	s4 =	sadd.s32 s4, s7  }
0xb: {  	s5 =	smax.u32 s9, $0x1;
	s31 =	sshrl.u32 s8, $0x3;
	s7 =	simm.s32 $0x2  }
0xc: {  	s8 =	simm.s32 $0x80;
	s9 =	simm.s32 $0x6200;
	s6 =	sadd.s32 s31, s6  }
.LBB2_1:
0xd: {  	[tilespmem:s3], [sflag:$0x2] =	stream.linear.gather [hbm4b:s4+s3], $0x6200, $0x38;
	[tilespmem:$0xA200] =	vst v63  }
0xe: {  	_ =	swait.ge [sflag:s7], $0x6200  }
0xf: {  	[sflag:s7] =	ssyncset.done $0x0  }
0x10: {  	s12 =	simm.s32 $0x0;
	[sflag:s7] =	ssyncadd.s32 $0xFFFF9E00  }
0x11: {  	[tilespmem:s9], [sflag:$0x1] =	stream.indirect.gather [hbm4b:s1+s8], $0x80, s12, s8, $0xb8;
	[tilespmem:$0xA200] =	vst v63  }
0x12: {  	_ =	swait.ge [sflag:s10], $0x4000  }
0x13: {  	[sflag:s10] =	ssyncset.done $0x0  }
0x14: {  	[sflag:s10] =	ssyncadd.s32 $0xFFFFC000  }
0x15: {  	[hbm4b:s6+s3] =	stream.linear.scatter [tilespmem:s9], [sflag:$0x2], $0x4000, $0x38;
	[tilespmem:$0xA200] =	vst v63  }
0x16: {  	s13 =	simm.s32 $0x200;
	_ =	swait.ge [sflag:s7], $0x4000  }
0x17: {  	s14 =	simm.s32 $0x400;
	s12 =	sadd.s32 $0x800, s6;
	[sflag:s7] =	ssyncset.done $0x0  }
.LBB2_2:
0x18: {  	s15 =	sshra.s32 s13, $0x2  }
0x19: {  	[sflag:s7] =	ssyncadd.s32 $0xFFFFC000;
	s13 =	smov.u32 s14;
	s16 =	sadd.s32 $0x200, s14  }
0x1a: {  	[tilespmem:s9], [sflag:$0x1] =	stream.indirect.gather [hbm4b:s1+s8], $0x80, s15, s8, $0xb8;
	[tilespmem:$0xA200] =	vst v63  }
0x1b: {  	p0 =	sne.s32 s14, $0x18600;
	_ =	swait.ge [sflag:s10], $0x4000  }
.Ltmp0:
0x1c: {  	[sflag:s10] =	ssyncset.done $0x0;
	(pc) =	sbr.rel @p0 .LBB2_2-.Ltmp0, $4  }
0x1d: {  	[sflag:s10] =	ssyncadd.s32 $0xFFFFC000  }
0x1e: {  	[hbm4b:s12+s3] =	stream.linear.scatter [tilespmem:s9], [sflag:$0x2], $0x4000, $0x38;
	[tilespmem:$0xA200] =	vst v63  }
0x1f: {  	_ =	swait.ge [sflag:s7], $0x4000  }
0x20: {  	s14 =	smov.u32 s16;
	s12 =	sadd.s32 $0x800, s12;
	[sflag:s7] =	ssyncset.done $0x0  }
0x21: {  	s13 =	sshra.s32 s13, $0x2;
	[sflag:s7] =	ssyncadd.s32 $0xFFFFC000  }
0x22: {  	[tilespmem:s9], [sflag:$0x1] =	stream.indirect.gather [hbm4b:s1+s8], $0x80, s13, s8, $0xb8;
	[tilespmem:$0xA200] =	vst v63  }
0x23: {  	s11 =	sadd.s32 $0x1, s11;
	_ =	swait.ge [sflag:s10], $0x4000  }
0x24: {  	p0 =	sne.s32 s11, s5;
	[sflag:s10] =	ssyncset.done $0x0  }
.Ltmp1:
0x25: {  	[sflag:s10] =	ssyncadd.s32 $0xFFFFC000;
	(pc) =	sbr.rel @p0 .LBB2_1-.Ltmp1, $4  }
0x26: {  	[hbm4b:s12+s3] =	stream.linear.scatter [tilespmem:s9], [sflag:$0x2], $0x4000, $0x38;
	[tilespmem:$0xA200] =	vst v63  }
0x27: {  	_ =	swait.ge [sflag:s7], $0x4000  }
0x28: {  	[sflag:s7] =	ssyncset.done $0x0  }
0x29: {  	[sflag:s7] =	ssyncadd.s32 $0xFFFFC000  }
0x2a: {  	_ =	sfence.sel $0x180000  }
0x2b: {  	[bflag:$0x0] =	sbarrier.arrive $0xFFFF  }
0x2c: {  	p0 =	sne.s32 s2, $0x0;
	_ =	strace $0x90000047  }
0x2d: {  	s0 =	sadd.s32 @!p0 $0x100000, s0;
	[bflag:$0x2] =	sbarrier.arrive $0xFFFF  }
0x2e: {  	[sflag:s0] =	ssyncadd.tile.s32 @!p0 $0x1;
	_ =	shalt  }
.Lfunc_end2:
_tile_overlayer_lowered:
.L_overlay_start_2:
0x2f: {  	(tag) =	ssettag $0x2  }
0x30: {  	s0 =	rddreg [dreg:$0x0];
	s2 =	stileid.u32  }
0x31: {  	s1 =	rddreg [dreg:$0x1];
	p0 =	sne.s32 s2, $0x0  }
0x32: {  	s3 =	rddreg [dreg:$0x2];
	[bflag:$0x3] =	sbarrier.arrive $0xFFFF;
	s2 =	simm.s32 @!p0 $0x1C02  }
0x33: {  	[timem:s3], [sflag:s2] =	dma.local @!p0 [hbm:s0], s1  }
0x34: {  	s0 =	simm.s32 @!p0 $0x2  }
0x35: {  	_ =	swait.ge @!p0 [sflag:s0], s1  }
0x36: {  	s1 =	ssub.s32 @!p0 $0x0, s1;
	[sflag:s0] =	ssyncset.done @!p0 $0x0  }
0x37: {  	[sflag:s0] =	ssyncadd.s32 @!p0 s1  }
0x38: {  	[bflag:$0x3] =	sbarrier.arrive $0xFFFF  }
0x39: {  	_ =	shalt  }

</sc_bundles>
